<compile_context>
chip_gen: v7x
topology: tpu7x:2x2x1
jax: 0.10.2.dev20260603
libtpu: 0.0.44.dev20260713+nightly
codegen_flags: <defaults>
</compile_context>

<pallas_src>
import functools

import jax
import jax.numpy as jnp
from jax import lax
from jax.experimental import pallas as pl
from jax.experimental.pallas import tpu as pltpu
from jax.experimental.pallas import tpu_sc as plsc

_MAX_ITER = 3
_IGNORE_INDEX = -100

_NC, _NS, _L = 1, 16, 16
_NW = _NC * _NS
_N = 4 * 8192
_CHUNK = _N // _NW

_mesh = plsc.VectorSubcoreMesh(core_axis_name="c", subcore_axis_name="s",
                               num_cores=_NC)


@functools.partial(
    pl.kernel,
    mesh=_mesh,
    out_type=jax.ShapeDtypeStruct((_N,), jnp.int32),
    scratch_types=[
        pltpu.VMEM((_CHUNK,), jnp.int32),
        pltpu.VMEM((_CHUNK,), jnp.int32),
    ],
)
def _label_select(mask_hbm, out_hbm, in_v, out_v):
    wid = lax.axis_index("s") * _NC + lax.axis_index("c")
    base = wid * _CHUNK
    pltpu.sync_copy(mask_hbm.at[pl.ds(base, _CHUNK)], in_v)

    def body(i, carry):
        v = in_v[pl.ds(i * _L, _L)]
        out_v[pl.ds(i * _L, _L)] = jnp.where(
            v == 1, jnp.int32(_MAX_ITER), jnp.int32(_IGNORE_INDEX)
        )
        return carry

    lax.fori_loop(0, _CHUNK // _L, body, 0, unroll=8)
    pltpu.sync_copy(out_v, out_hbm.at[pl.ds(base, _CHUNK)])


def kernel(active_logits, active_labels_shifted, iter_depth,
           current_iter_mask, active_valid_mask):
    flat = active_valid_mask.reshape(-1)
    out = _label_select(flat)
    return out.reshape(active_valid_mask.shape)

# --- scband reference (transcript-rebuilt; emitter-appended) ---
"""Pipeline reference for scband-max-iter-label-generator-68839735820399 (READ-ONLY COPY).

The authoritative reference and input builder live on the scoring server;
editing this copy changes nothing except your own understanding.
"""

import jax, jax.numpy as jnp
import numpy as np

MAX_ITER = 3
IGNORE_INDEX = -100

def setup_inputs(seed: int = 0) -> dict:
    key = jax.random.key(seed)
    k1, k2, k3 = jax.random.split(key, 3)
    active_logits = jax.random.normal(k1, (4, 8192, 128), dtype=jnp.float32)
    active_labels_shifted = jax.random.randint(k2, (4, 8192), 0, 32000, dtype=jnp.int32)
    iter_depth = 1
    current_iter_mask = jnp.ones((4, 8192), dtype=bool)
    active_valid_mask = jax.random.randint(k3, (4, 8192), 0, 2, dtype=jnp.int32)
    return {
        "active_logits": active_logits,
        "active_labels_shifted": active_labels_shifted,
        "iter_depth": iter_depth,
        "current_iter_mask": current_iter_mask,
        "active_valid_mask": active_valid_mask,
    }

def reference(active_logits, active_labels_shifted, iter_depth, current_iter_mask, active_valid_mask):
    # base_tensor selection: active_logits is not None -> base = active_logits[..., 0]
    base = active_logits[..., 0]
    # labels full of max_iter
    labels_active = jnp.full(base.shape, MAX_ITER, dtype=jnp.int32)
    # masked_fill(~valid, ignore_index)
    valid_active = (active_valid_mask == 1)
    labels_active = jnp.where(valid_active, labels_active, jnp.int32(IGNORE_INDEX))
    # self.full_labels is None at fresh module construction (prepare() was not
    # called), so the internal scatter-max accumulation branch
    # (proposal -> _assign_active scatter -> maximum) is skipped, exactly as in
    # the torch forward path. The return value is labels_active either way.
    return labels_active

if __name__ == "__main__":
    import jax
    _d = setup_inputs()
    print(jax.jit(kernel)(*tuple(_d.values())))

</pallas_src>

<mosaic_0001>
#map = affine_map<(d0, d1) -> (0)>
module attributes {stable_mosaic.version = 14 : i64} {
  func.func @_label_select(%arg0: i32, %arg1: i32, %arg2: memref<32768xi32, #tpu.memory_space<hbm>>, %arg3: memref<32768xi32, #tpu.memory_space<hbm>>, %arg4: memref<2048xi32, #tpu.memory_space<vmem>>, %arg5: memref<2048xi32, #tpu.memory_space<vmem>>) attributes {dimension_semantics = [#tpu.dimension_semantics<core_parallel>, #tpu.dimension_semantics<subcore_parallel>], iteration_bounds = array<i64: 1, 16>, scalar_prefetch = 0 : i64, scratch_operands = 2 : i64, tpu.core_type = #tpu.core_type<sc_vector_subcore>, window_params = [{transform_indices = #map}, {transform_indices = #map}]} {
    %mul3A = arith.constant 1 : i32
    %mul3A_0 = arith.muli %arg1, %mul3A : i32
    %add3A = arith.addi %mul3A_0, %arg0 : i32
    %mul3A_1 = arith.constant 2048 : i32
    %mul3A_2 = arith.muli %add3A, %mul3A_1 : i32
    "tpu.region"() ({
      %run_scoped3A = tpu.sem_alloc : memref<!tpu.dma_semaphore, #tpu.memory_space<semaphore_mem>>
      %dma_start3A = tpu.memref_slice %arg2[%mul3A_2] : memref<32768xi32, #tpu.memory_space<hbm>> -> memref<2048xi32, #tpu.memory_space<hbm>>
      %dma_start3A_8 = tpu.memref_slice %arg2[%mul3A_2] : memref<32768xi32, #tpu.memory_space<hbm>> -> memref<2048xi32, #tpu.memory_space<hbm>>
      tpu.enqueue_dma source(%dma_start3A_8 : memref<2048xi32, #tpu.memory_space<hbm>>) target(%arg4 : memref<2048xi32, #tpu.memory_space<vmem>>) target_semaphore(%run_scoped3A : memref<!tpu.dma_semaphore, #tpu.memory_space<semaphore_mem>>)
      %dma_wait3A = tpu.memref_slice %arg2[%mul3A_2] : memref<32768xi32, #tpu.memory_space<hbm>> -> memref<2048xi32, #tpu.memory_space<hbm>>
      %dma_wait3A_9 = tpu.memref_slice %arg2[%mul3A_2] : memref<32768xi32, #tpu.memory_space<hbm>> -> memref<2048xi32, #tpu.memory_space<hbm>>
      tpu.wait_dma2 semaphore(%run_scoped3A : memref<!tpu.dma_semaphore, #tpu.memory_space<semaphore_mem>>) src(%dma_wait3A_9 : memref<2048xi32, #tpu.memory_space<hbm>>) dst(%arg4 : memref<2048xi32, #tpu.memory_space<vmem>>)
      tpu.yield
    }) : () -> ()
    %scan3A = arith.constant 0 : i32
    %scan3A_3 = arith.constant 0 : i32
    %scan3A_4 = arith.constant 128 : i32
    %scan3A_5 = arith.addi %scan3A_3, %scan3A_4 : i32
    %scan3A_6 = arith.constant 8 : i32
    scf.for %scan3A_8 = %scan3A_3 to %scan3A_5 step %scan3A_6  : i32 {
      %mul3A_9 = arith.constant 16 : i32
      %mul3A_10 = arith.muli %scan3A_8, %mul3A_9 : i32
      %get3A = arith.index_cast %mul3A_10 : i32 to index
      %get3A_11 = tpu.vector_load %arg4[%get3A] {strides = array<i32>} : memref<2048xi32, #tpu.memory_space<vmem>>, vector<16xi32>,
      %get3A_12 = vector.shape_cast %get3A_11 : vector<16xi32> to vector<16xi32>
      %eq3A = arith.constant 1 : i32
      %eq3A_13 = vector.broadcast %eq3A : i32 to vector<16xi32>
      %eq3A_14 = arith.cmpi eq, %get3A_12, %eq3A_13 : vector<16xi32>
      %jit3A = arith.constant 3 : i32
      %jit3A_15 = arith.constant -100 : i32
      %broadcast_in_dim3A = vector.broadcast %jit3A : i32 to vector<16xi32>
      %broadcast_in_dim3A_16 = vector.broadcast %jit3A_15 : i32 to vector<16xi32>
      %select_n3A = arith.select %eq3A_14, %broadcast_in_dim3A, %broadcast_in_dim3A_16 : vector<16xi1>, vector<16xi32>
      %mul3A_17 = arith.constant 16 : i32
      %mul3A_18 = arith.muli %scan3A_8, %mul3A_17 : i32
      %swap3A = arith.index_cast %mul3A_18 : i32 to index
      %swap3A_19 = tpu.vector_load %arg5[%swap3A] {strides = array<i32>} : memref<2048xi32, #tpu.memory_space<vmem>>, vector<16xi32>,
      %swap3A_20 = vector.shape_cast %swap3A_19 : vector<16xi32> to vector<16xi32>
      %swap3A_21 = vector.shape_cast %select_n3A : vector<16xi32> to vector<16xi32>
      tpu.vector_store %arg5[%swap3A], %swap3A_21 {strides = array<i32>} : memref<2048xi32, #tpu.memory_space<vmem>>, vector<16xi32>,
      %scan3A_22 = arith.constant 1 : i32
      %scan3A_23 = arith.addi %scan3A_8, %scan3A_22 : i32
      %mul3A_24 = arith.constant 16 : i32
      %mul3A_25 = arith.muli %scan3A_23, %mul3A_24 : i32
      %get3A_26 = arith.index_cast %mul3A_25 : i32 to index
      %get3A_27 = tpu.vector_load %arg4[%get3A_26] {strides = array<i32>} : memref<2048xi32, #tpu.memory_space<vmem>>, vector<16xi32>,
      %get3A_28 = vector.shape_cast %get3A_27 : vector<16xi32> to vector<16xi32>
      %eq3A_29 = arith.constant 1 : i32
      %eq3A_30 = vector.broadcast %eq3A_29 : i32 to vector<16xi32>
      %eq3A_31 = arith.cmpi eq, %get3A_28, %eq3A_30 : vector<16xi32>
      %jit3A_32 = arith.constant 3 : i32
      %jit3A_33 = arith.constant -100 : i32
      %broadcast_in_dim3A_34 = vector.broadcast %jit3A_32 : i32 to vector<16xi32>
      %broadcast_in_dim3A_35 = vector.broadcast %jit3A_33 : i32 to vector<16xi32>
      %select_n3A_36 = arith.select %eq3A_31, %broadcast_in_dim3A_34, %broadcast_in_dim3A_35 : vector<16xi1>, vector<16xi32>
      %mul3A_37 = arith.constant 16 : i32
      %mul3A_38 = arith.muli %scan3A_23, %mul3A_37 : i32
      %swap3A_39 = arith.index_cast %mul3A_38 : i32 to index
      %swap3A_40 = tpu.vector_load %arg5[%swap3A_39] {strides = array<i32>} : memref<2048xi32, #tpu.memory_space<vmem>>, vector<16xi32>,
      %swap3A_41 = vector.shape_cast %swap3A_40 : vector<16xi32> to vector<16xi32>
      %swap3A_42 = vector.shape_cast %select_n3A_36 : vector<16xi32> to vector<16xi32>
      tpu.vector_store %arg5[%swap3A_39], %swap3A_42 {strides = array<i32>} : memref<2048xi32, #tpu.memory_space<vmem>>, vector<16xi32>,
      %scan3A_43 = arith.constant 2 : i32
      %scan3A_44 = arith.addi %scan3A_8, %scan3A_43 : i32
      %mul3A_45 = arith.constant 16 : i32
      %mul3A_46 = arith.muli %scan3A_44, %mul3A_45 : i32
      %get3A_47 = arith.index_cast %mul3A_46 : i32 to index
      %get3A_48 = tpu.vector_load %arg4[%get3A_47] {strides = array<i32>} : memref<2048xi32, #tpu.memory_space<vmem>>, vector<16xi32>,
      %get3A_49 = vector.shape_cast %get3A_48 : vector<16xi32> to vector<16xi32>
      %eq3A_50 = arith.constant 1 : i32
      %eq3A_51 = vector.broadcast %eq3A_50 : i32 to vector<16xi32>
      %eq3A_52 = arith.cmpi eq, %get3A_49, %eq3A_51 : vector<16xi32>
      %jit3A_53 = arith.constant 3 : i32
      %jit3A_54 = arith.constant -100 : i32
      %broadcast_in_dim3A_55 = vector.broadcast %jit3A_53 : i32 to vector<16xi32>
      %broadcast_in_dim3A_56 = vector.broadcast %jit3A_54 : i32 to vector<16xi32>
      %select_n3A_57 = arith.select %eq3A_52, %broadcast_in_dim3A_55, %broadcast_in_dim3A_56 : vector<16xi1>, vector<16xi32>
      %mul3A_58 = arith.constant 16 : i32
      %mul3A_59 = arith.muli %scan3A_44, %mul3A_58 : i32
      %swap3A_60 = arith.index_cast %mul3A_59 : i32 to index
      %swap3A_61 = tpu.vector_load %arg5[%swap3A_60] {strides = array<i32>} : memref<2048xi32, #tpu.memory_space<vmem>>, vector<16xi32>,
      %swap3A_62 = vector.shape_cast %swap3A_61 : vector<16xi32> to vector<16xi32>
      %swap3A_63 = vector.shape_cast %select_n3A_57 : vector<16xi32> to vector<16xi32>
      tpu.vector_store %arg5[%swap3A_60], %swap3A_63 {strides = array<i32>} : memref<2048xi32, #tpu.memory_space<vmem>>, vector<16xi32>,
      %scan3A_64 = arith.constant 3 : i32
      %scan3A_65 = arith.addi %scan3A_8, %scan3A_64 : i32
      %mul3A_66 = arith.constant 16 : i32
      %mul3A_67 = arith.muli %scan3A_65, %mul3A_66 : i32
      %get3A_68 = arith.index_cast %mul3A_67 : i32 to index
      %get3A_69 = tpu.vector_load %arg4[%get3A_68] {strides = array<i32>} : memref<2048xi32, #tpu.memory_space<vmem>>, vector<16xi32>,
      %get3A_70 = vector.shape_cast %get3A_69 : vector<16xi32> to vector<16xi32>
      %eq3A_71 = arith.constant 1 : i32
      %eq3A_72 = vector.broadcast %eq3A_71 : i32 to vector<16xi32>
      %eq3A_73 = arith.cmpi eq, %get3A_70, %eq3A_72 : vector<16xi32>
      %jit3A_74 = arith.constant 3 : i32
      %jit3A_75 = arith.constant -100 : i32
      %broadcast_in_dim3A_76 = vector.broadcast %jit3A_74 : i32 to vector<16xi32>
      %broadcast_in_dim3A_77 = vector.broadcast %jit3A_75 : i32 to vector<16xi32>
      %select_n3A_78 = arith.select %eq3A_73, %broadcast_in_dim3A_76, %broadcast_in_dim3A_77 : vector<16xi1>, vector<16xi32>
      %mul3A_79 = arith.constant 16 : i32
      %mul3A_80 = arith.muli %scan3A_65, %mul3A_79 : i32
      %swap3A_81 = arith.index_cast %mul3A_80 : i32 to index
      %swap3A_82 = tpu.vector_load %arg5[%swap3A_81] {strides = array<i32>} : memref<2048xi32, #tpu.memory_space<vmem>>, vector<16xi32>,
      %swap3A_83 = vector.shape_cast %swap3A_82 : vector<16xi32> to vector<16xi32>
      %swap3A_84 = vector.shape_cast %select_n3A_78 : vector<16xi32> to vector<16xi32>
      tpu.vector_store %arg5[%swap3A_81], %swap3A_84 {strides = array<i32>} : memref<2048xi32, #tpu.memory_space<vmem>>, vector<16xi32>,
      %scan3A_85 = arith.constant 4 : i32
      %scan3A_86 = arith.addi %scan3A_8, %scan3A_85 : i32
      %mul3A_87 = arith.constant 16 : i32
      %mul3A_88 = arith.muli %scan3A_86, %mul3A_87 : i32
      %get3A_89 = arith.index_cast %mul3A_88 : i32 to index
      %get3A_90 = tpu.vector_load %arg4[%get3A_89] {strides = array<i32>} : memref<2048xi32, #tpu.memory_space<vmem>>, vector<16xi32>,
      %get3A_91 = vector.shape_cast %get3A_90 : vector<16xi32> to vector<16xi32>
      %eq3A_92 = arith.constant 1 : i32
      %eq3A_93 = vector.broadcast %eq3A_92 : i32 to vector<16xi32>
      %eq3A_94 = arith.cmpi eq, %get3A_91, %eq3A_93 : vector<16xi32>
      %jit3A_95 = arith.constant 3 : i32
      %jit3A_96 = arith.constant -100 : i32
      %broadcast_in_dim3A_97 = vector.broadcast %jit3A_95 : i32 to vector<16xi32>
      %broadcast_in_dim3A_98 = vector.broadcast %jit3A_96 : i32 to vector<16xi32>
      %select_n3A_99 = arith.select %eq3A_94, %broadcast_in_dim3A_97, %broadcast_in_dim3A_98 : vector<16xi1>, vector<16xi32>
      %mul3A_100 = arith.constant 16 : i32
      %mul3A_101 = arith.muli %scan3A_86, %mul3A_100 : i32
      %swap3A_102 = arith.index_cast %mul3A_101 : i32 to index
      %swap3A_103 = tpu.vector_load %arg5[%swap3A_102] {strides = array<i32>} : memref<2048xi32, #tpu.memory_space<vmem>>, vector<16xi32>,
      %swap3A_104 = vector.shape_cast %swap3A_103 : vector<16xi32> to vector<16xi32>
      %swap3A_105 = vector.shape_cast %select_n3A_99 : vector<16xi32> to vector<16xi32>
      tpu.vector_store %arg5[%swap3A_102], %swap3A_105 {strides = array<i32>} : memref<2048xi32, #tpu.memory_space<vmem>>, vector<16xi32>,
      %scan3A_106 = arith.constant 5 : i32
      %scan3A_107 = arith.addi %scan3A_8, %scan3A_106 : i32
      %mul3A_108 = arith.constant 16 : i32
      %mul3A_109 = arith.muli %scan3A_107, %mul3A_108 : i32
      %get3A_110 = arith.index_cast %mul3A_109 : i32 to index
      %get3A_111 = tpu.vector_load %arg4[%get3A_110] {strides = array<i32>} : memref<2048xi32, #tpu.memory_space<vmem>>, vector<16xi32>,
      %get3A_112 = vector.shape_cast %get3A_111 : vector<16xi32> to vector<16xi32>
      %eq3A_113 = arith.constant 1 : i32
      %eq3A_114 = vector.broadcast %eq3A_113 : i32 to vector<16xi32>
      %eq3A_115 = arith.cmpi eq, %get3A_112, %eq3A_114 : vector<16xi32>
      %jit3A_116 = arith.constant 3 : i32
      %jit3A_117 = arith.constant -100 : i32
      %broadcast_in_dim3A_118 = vector.broadcast %jit3A_116 : i32 to vector<16xi32>
      %broadcast_in_dim3A_119 = vector.broadcast %jit3A_117 : i32 to vector<16xi32>
      %select_n3A_120 = arith.select %eq3A_115, %broadcast_in_dim3A_118, %broadcast_in_dim3A_119 : vector<16xi1>, vector<16xi32>
      %mul3A_121 = arith.constant 16 : i32
      %mul3A_122 = arith.muli %scan3A_107, %mul3A_121 : i32
      %swap3A_123 = arith.index_cast %mul3A_122 : i32 to index
      %swap3A_124 = tpu.vector_load %arg5[%swap3A_123] {strides = array<i32>} : memref<2048xi32, #tpu.memory_space<vmem>>, vector<16xi32>,
      %swap3A_125 = vector.shape_cast %swap3A_124 : vector<16xi32> to vector<16xi32>
      %swap3A_126 = vector.shape_cast %select_n3A_120 : vector<16xi32> to vector<16xi32>
      tpu.vector_store %arg5[%swap3A_123], %swap3A_126 {strides = array<i32>} : memref<2048xi32, #tpu.memory_space<vmem>>, vector<16xi32>,
      %scan3A_127 = arith.constant 6 : i32
      %scan3A_128 = arith.addi %scan3A_8, %scan3A_127 : i32
      %mul3A_129 = arith.constant 16 : i32
      %mul3A_130 = arith.muli %scan3A_128, %mul3A_129 : i32
      %get3A_131 = arith.index_cast %mul3A_130 : i32 to index
      %get3A_132 = tpu.vector_load %arg4[%get3A_131] {strides = array<i32>} : memref<2048xi32, #tpu.memory_space<vmem>>, vector<16xi32>,
      %get3A_133 = vector.shape_cast %get3A_132 : vector<16xi32> to vector<16xi32>
      %eq3A_134 = arith.constant 1 : i32
      %eq3A_135 = vector.broadcast %eq3A_134 : i32 to vector<16xi32>
      %eq3A_136 = arith.cmpi eq, %get3A_133, %eq3A_135 : vector<16xi32>
      %jit3A_137 = arith.constant 3 : i32
      %jit3A_138 = arith.constant -100 : i32
      %broadcast_in_dim3A_139 = vector.broadcast %jit3A_137 : i32 to vector<16xi32>
      %broadcast_in_dim3A_140 = vector.broadcast %jit3A_138 : i32 to vector<16xi32>
      %select_n3A_141 = arith.select %eq3A_136, %broadcast_in_dim3A_139, %broadcast_in_dim3A_140 : vector<16xi1>, vector<16xi32>
      %mul3A_142 = arith.constant 16 : i32
      %mul3A_143 = arith.muli %scan3A_128, %mul3A_142 : i32
      %swap3A_144 = arith.index_cast %mul3A_143 : i32 to index
      %swap3A_145 = tpu.vector_load %arg5[%swap3A_144] {strides = array<i32>} : memref<2048xi32, #tpu.memory_space<vmem>>, vector<16xi32>,
      %swap3A_146 = vector.shape_cast %swap3A_145 : vector<16xi32> to vector<16xi32>
      %swap3A_147 = vector.shape_cast %select_n3A_141 : vector<16xi32> to vector<16xi32>
      tpu.vector_store %arg5[%swap3A_144], %swap3A_147 {strides = array<i32>} : memref<2048xi32, #tpu.memory_space<vmem>>, vector<16xi32>,
      %scan3A_148 = arith.constant 7 : i32
      %scan3A_149 = arith.addi %scan3A_8, %scan3A_148 : i32
      %mul3A_150 = arith.constant 16 : i32
      %mul3A_151 = arith.muli %scan3A_149, %mul3A_150 : i32
      %get3A_152 = arith.index_cast %mul3A_151 : i32 to index
      %get3A_153 = tpu.vector_load %arg4[%get3A_152] {strides = array<i32>} : memref<2048xi32, #tpu.memory_space<vmem>>, vector<16xi32>,
      %get3A_154 = vector.shape_cast %get3A_153 : vector<16xi32> to vector<16xi32>
      %eq3A_155 = arith.constant 1 : i32
      %eq3A_156 = vector.broadcast %eq3A_155 : i32 to vector<16xi32>
      %eq3A_157 = arith.cmpi eq, %get3A_154, %eq3A_156 : vector<16xi32>
      %jit3A_158 = arith.constant 3 : i32
      %jit3A_159 = arith.constant -100 : i32
      %broadcast_in_dim3A_160 = vector.broadcast %jit3A_158 : i32 to vector<16xi32>
      %broadcast_in_dim3A_161 = vector.broadcast %jit3A_159 : i32 to vector<16xi32>
      %select_n3A_162 = arith.select %eq3A_157, %broadcast_in_dim3A_160, %broadcast_in_dim3A_161 : vector<16xi1>, vector<16xi32>
      %mul3A_163 = arith.constant 16 : i32
      %mul3A_164 = arith.muli %scan3A_149, %mul3A_163 : i32
      %swap3A_165 = arith.index_cast %mul3A_164 : i32 to index
      %swap3A_166 = tpu.vector_load %arg5[%swap3A_165] {strides = array<i32>} : memref<2048xi32, #tpu.memory_space<vmem>>, vector<16xi32>,
      %swap3A_167 = vector.shape_cast %swap3A_166 : vector<16xi32> to vector<16xi32>
      %swap3A_168 = vector.shape_cast %select_n3A_162 : vector<16xi32> to vector<16xi32>
      tpu.vector_store %arg5[%swap3A_165], %swap3A_168 {strides = array<i32>} : memref<2048xi32, #tpu.memory_space<vmem>>, vector<16xi32>,
    }
    %scan3A_7 = arith.constant 128 : i32
    "tpu.region"() ({
      %run_scoped3A = tpu.sem_alloc : memref<!tpu.dma_semaphore, #tpu.memory_space<semaphore_mem>>
      %dma_start3A = tpu.memref_slice %arg3[%mul3A_2] : memref<32768xi32, #tpu.memory_space<hbm>> -> memref<2048xi32, #tpu.memory_space<hbm>>
      %dma_start3A_8 = tpu.memref_slice %arg3[%mul3A_2] : memref<32768xi32, #tpu.memory_space<hbm>> -> memref<2048xi32, #tpu.memory_space<hbm>>
      tpu.enqueue_dma source(%arg5 : memref<2048xi32, #tpu.memory_space<vmem>>) target(%dma_start3A_8 : memref<2048xi32, #tpu.memory_space<hbm>>) target_semaphore(%run_scoped3A : memref<!tpu.dma_semaphore, #tpu.memory_space<semaphore_mem>>)
      %dma_wait3A = tpu.memref_slice %arg3[%mul3A_2] : memref<32768xi32, #tpu.memory_space<hbm>> -> memref<2048xi32, #tpu.memory_space<hbm>>
      %dma_wait3A_9 = tpu.memref_slice %arg3[%mul3A_2] : memref<32768xi32, #tpu.memory_space<hbm>> -> memref<2048xi32, #tpu.memory_space<hbm>>
      tpu.wait_dma2 semaphore(%run_scoped3A : memref<!tpu.dma_semaphore, #tpu.memory_space<semaphore_mem>>) src(%arg5 : memref<2048xi32, #tpu.memory_space<vmem>>) dst(%dma_wait3A_9 : memref<2048xi32, #tpu.memory_space<hbm>>)
      tpu.yield
    }) : () -> ()
    return
  }
}

</mosaic_0001>

<sc_bundles>
// kernel: kernel.3.cloned.1.call-start
scs
__scs_entry_jumppad:
0x0: {  	(pc) =	sbr.rel $0x88, $3  }
0x1: {  	(tag) =	ssettag $0x0;
	lr =	simm.s32 $0x1  }
0x2: {  	[smem:$0x3FA0] =	sst lr;
	_ =	strace $0xD0000000  }
0x3: {  	_ = 	snop  }
0x4: {  	_ = 	snop  }
0x5: {  	_ = 	snop  }
0x6: {  	_ = 	snop  }
0x7: {  	_ = 	snop  }
__scs_overlays_trampoline_lowered:
0x8: {  	[smem:$0x3FAF] =	sst s0  }
0x9: {  	[smem:$0x3FB0] =	sst s1  }
0xa: {  	[smem:$0x3FB1] =	sst s2  }
0xb: {  	[smem:$0x3FB2] =	sst s3  }
0xc: {  	[smem:$0x3FB3] =	sst s4  }
0xd: {  	[smem:$0x3FB4] =	sst s5  }
0xe: {  	[smem:$0x3FB5] =	sst s6  }
0xf: {  	[smem:$0x3FB6] =	sst s7  }
0x10: {  	[smem:$0x3FB7] =	sst s8  }
0x11: {  	[smem:$0x3FB8] =	sst s9;
	s0 =	simm.s32 @!p0 $0x0  }
0x12: {  	s1 =	sld [smem:$0x3F9E];
	s0 =	simm.s32 @p0 $0x1  }
0x13: {  	[smem:$0x3FB9] =	sst s0;
	s0 =	simm.s32 @!p1 $0x0  }
0x14: {  	s2 =	sld [smem:$0x3F9D];
	s0 =	simm.s32 @p1 $0x1  }
0x15: {  	[smem:$0x3FBA] =	sst s0;
	s0 =	simm.s32 @!p2 $0x0  }
0x16: {  	s3 =	sld [smem:$0x3FDB];
	s0 =	simm.s32 @p2 $0x1  }
0x17: {  	s4 =	simm.s32 $0x1BF5;
	[smem:$0x3FBC] =	sst s0  }
0x18: {  	s0 =	sld [smem:$0x3F9F];
	_ =	swait.ge [sflag:s4], $0x0  }
0x19: {  	s7 =	sld [smem:$0x3FA0]  }
0x1a: {  	s8 =	sadd.s32 $0xFFFFE003, lr  }
0x1b: {  	s9 =	sadd.s32 $0xFFFFFEF7, lr;
	s5 =	simm.s32 $0xFFFFFFFF;
	p2 =	slt.u32 s8, $0xFFFFF086  }
0x1c: {  	p1 =	slt.u32 s9, $0xF7A;
	s5 =	simm.s32 @!p2 $0x0  }
0x1d: {  	s5 =	simm.s32 @p1 $0x1;
	p0 =	seq.s32 s7, s2  }
0x1e: {  	s7 =	smul.u32 @!p0 $0xF7A, s2;
	p2 =	seq.s32 @!p0 s5, $0x0  }
0x1f: {  	s9 =	smul.u32 $0xF7A, s1;
	s8 =	simm.s32 @!p0 $0x1BF5;
	p2 =	por !p2, p0  }
0x20: {  	[sflag:s8] =	ssyncset.s32 @!p0 $0xFFFFF086;
	s6 =	sadd.s32 @!p0 s3, s7;
	s7 =	simm.s32 @!p0 $0x108  }
0x21: {  	s3 =	sadd.s32 s3, s9;
	s6 =	sadd.s32 @!p0 $0x88, s6;
	s7 =	simm.s32 @p2 $0x1082  }
0x22: {  	[simem:s7], [sflag:s8] =	dma.local @!p0 [hbm:s6], $0xF7A  }
0x23: {  	s9 =	sor.u32 $0xD0000000, s2;
	s6 =	simm.s32 $0x108;
	_ =	swait.ge @!p0 [sflag:s8], $0x0  }
0x24: {  	s3 =	sadd.s32 $0x88, s3;
	s6 =	simm.s32 @!p1 $0x1082;
	[sflag:s4] =	ssyncset.s32 $0xFFFFF086  }
0x25: {  	[simem:s6], [sflag:s4] =	dma.local [hbm:s3], $0xF7A  }
0x26: {  	[smem:$0x3FA0] =	sst s1;
	(tag) =	ssettag s2;
	_ =	strace s9  }
0x27: {  	s1 =	sld [smem:$0x3FB0]  }
0x28: {  	s2 =	sld [smem:$0x3FB1]  }
0x29: {  	s4 =	sld [smem:$0x3FB3]  }
0x2a: {  	p0 =	seq.s32 s5, $0x0;
	s5 =	sld [smem:$0x3FB4]  }
0x2b: {  	s6 =	sld [smem:$0x3FB5]  }
0x2c: {  	s7 =	sld [smem:$0x3FB6]  }
0x2d: {  	s3 =	simm.s32 $0x108;
	s8 =	sld [smem:$0x3FB7]  }
0x2e: {  	s3 =	simm.s32 @!p0 $0x1082;
	s9 =	sld [smem:$0x3FB8]  }
0x2f: {  	lr =	sadd.s32 s0, s3;
	s0 =	sld [smem:$0x3FAF]  }
0x30: {  	s3 =	sld [smem:$0x3FB2]  }
0x31: {  	[smem:$0x3FBB] =	sst s10  }
0x32: {  	s10 =	sld [smem:$0x3FB9];
	_ =	sdelay $0x3  }
0x33: {  	p0 =	seq.s32 s10, $0x1;
	s10 =	sld [smem:$0x3FBB];
	_ =	sdelay $0x3  }
0x34: {  	[smem:$0x3FBB] =	sst s10  }
0x35: {  	s10 =	sld [smem:$0x3FBA];
	_ =	sdelay $0x3  }
0x36: {  	p1 =	seq.s32 s10, $0x1;
	s10 =	sld [smem:$0x3FBB];
	_ =	sdelay $0x3  }
0x37: {  	[smem:$0x3FBB] =	sst s10  }
0x38: {  	s10 =	sld [smem:$0x3FBC]  }
0x39: {  	_ = 	snop;
	(pc) =	sbr.ind lr, $3  }
0x3a: {  	_ = 	snop  }
0x3b: {  	_ = 	snop  }
0x3c: {  	p2 =	seq.s32 s10, $0x1;
	s10 =	sld [smem:$0x3FBB]  }
0x3d: {  	_ =	shalt  }
0x3e: {  	_ =	shalt  }
0x3f: {  	_ =	shalt  }
0x40: {  	_ =	shalt  }
0x41: {  	_ =	shalt  }
0x42: {  	_ =	shalt  }
0x43: {  	_ =	shalt  }
0x44: {  	_ =	shalt  }
0x45: {  	_ =	shalt  }
0x46: {  	_ =	shalt  }
0x47: {  	_ =	shalt  }
0x48: {  	_ =	shalt  }
0x49: {  	_ =	shalt  }
0x4a: {  	_ =	shalt  }
0x4b: {  	_ =	shalt  }
0x4c: {  	_ =	shalt  }
0x4d: {  	_ =	shalt  }
0x4e: {  	_ =	shalt  }
0x4f: {  	_ =	shalt  }
0x50: {  	_ =	shalt  }
0x51: {  	_ =	shalt  }
0x52: {  	_ =	shalt  }
0x53: {  	_ =	shalt  }
0x54: {  	_ =	shalt  }
0x55: {  	_ =	shalt  }
0x56: {  	_ =	shalt  }
0x57: {  	_ =	shalt  }
0x58: {  	_ =	shalt  }
0x59: {  	_ =	shalt  }
0x5a: {  	_ =	shalt  }
0x5b: {  	_ =	shalt  }
0x5c: {  	_ =	shalt  }
0x5d: {  	_ =	shalt  }
0x5e: {  	_ =	shalt  }
0x5f: {  	_ =	shalt  }
0x60: {  	_ =	shalt  }
0x61: {  	_ =	shalt  }
0x62: {  	_ =	shalt  }
0x63: {  	_ =	shalt  }
0x64: {  	_ =	shalt  }
0x65: {  	_ =	shalt  }
0x66: {  	_ =	shalt  }
0x67: {  	_ =	shalt  }
0x68: {  	_ =	shalt  }
0x69: {  	_ =	shalt  }
0x6a: {  	_ =	shalt  }
0x6b: {  	_ =	shalt  }
0x6c: {  	_ =	shalt  }
0x6d: {  	_ =	shalt  }
0x6e: {  	_ =	shalt  }
0x6f: {  	_ =	shalt  }
0x70: {  	_ =	shalt  }
0x71: {  	_ =	shalt  }
0x72: {  	_ =	shalt  }
0x73: {  	_ =	shalt  }
0x74: {  	_ =	shalt  }
0x75: {  	_ =	shalt  }
0x76: {  	_ =	shalt  }
0x77: {  	_ =	shalt  }
0x78: {  	_ =	shalt  }
0x79: {  	_ =	shalt  }
0x7a: {  	_ =	shalt  }
0x7b: {  	_ =	shalt  }
0x7c: {  	_ =	shalt  }
0x7d: {  	_ =	shalt  }
0x7e: {  	_ =	shalt  }
0x7f: {  	_ =	shalt  }
0x80: {  	_ =	shalt  }
0x81: {  	_ =	shalt  }
0x82: {  	_ =	shalt  }
0x83: {  	_ =	shalt  }
0x84: {  	_ =	shalt  }
0x85: {  	_ =	shalt  }
0x86: {  	_ =	shalt  }
0x87: {  	_ =	shalt  }
.Lfunc_end0:
.L_simem_size_0:
called_computation_lowered:
.L_overlay_start_0:
0x88: {  	s0 =	sld [smem:$0x3FD9]  }
0x89: {  	s1 =	sld [smem:$0x3FFE];
	_ =	sdelay $0x3  }
0x8a: {  	s0 =	sadd.s32 s1, s0  }
0x8b: {  	[smem:$0x3FC7] =	sst s0  }
0x8c: {  	_ = 	snop  }
0x8d: {  	s0 =	sld [smem:$0x3FD0];
	(tm) =	ssettm $0x1  }
0x8e: {  	s16 =	sld [smem:$0x3FFB];
	_ =	sdelay $0x3  }
0x8f: {  	_ =	strace s16  }
0x90: {  	s1 =	sld [smem:$0x3FFC];
	_ =	sdelay $0x3  }
0x91: {  	_ =	strace s1  }
0x92: {  	s1 =	sld [smem:$0x3FFD];
	_ =	sdelay $0x3  }
0x93: {  	_ =	strace s1  }
0x94: {  	_ =	strace $0x8FFFFFFF  }
0x95: {  	s17 =	sld [smem:$0x3FDB];
	_ =	sdelay $0x1  }
0x96: {  	s2 =	simm.s32 $_scs_section_size  }
0x97: {  	s3 =	simm.s32 $_size__tile_overlayer_lowered;
	s4 =	simm.s32 $_tile_overlayer_lowered  }
0x98: {  	s20 =	simm.s32 $0x1BFF;
	s19 =	sshll.u32 s4, $0x1;
	s1 =	sadd.s32 s2, s17  }
0x99: {  	s5 =	simm.s32 $0x0;
	s18 =	sshll.u32 s3, $0x1;
	s3 =	sadd.s32 s19, s1  }
0x9a: {  	[timem:s5], [sflag:s20] =	dma.local [hbm:s3], s18  }
0x9b: {  	_ =	swait.ge [sflag:s20], s18  }
0x9c: {  	s2 =	ssub.s32 $0x0, s18;
	[sflag:s20] =	ssyncset.done $0x0  }
0x9d: {  	[sflag:s20] =	ssyncadd.s32 s2;
	_ =	sdelay $0x1  }
0x9e: {  	s21 =	simm.s32 $0x1B8B  }
0x9f: {  	_ =	swait.ge [sflag:s21], $0x1  }
0xa0: {  	[sflag:s21] =	ssyncset.done $0x0  }
0xa1: {  	s23 =	simm.s32 $0x1B8E;
	s22 =	sld [smem:$0x3FFE];
	[sflag:s21] =	ssyncadd.s32 $0xFFFFFFFF  }
0xa2: {  	s24 =	simm.s32 $execute0_lowered;
	[smem:$0x3FD2] =	sst s23  }
0xa3: {  	s3 =	sshll.u32 s24, $0x1;
	_ =	strace $0x80000046;
	[dreg:$0x1] =	wrdreg $0xFFFFFFFF  }
0xa4: {  	s25 =	simm.s32 $_size_execute0_lowered;
	s1 =	sadd.s32 s1, s3;
	[dreg:$0x0] =	wrdreg $0x0  }
0xa5: {  	s3 =	sshll.u32 s25, $0x1;
	[dreg:$0x2] =	wrdreg s1  }
0xa6: {  	[dreg:$0x3] =	wrdreg s3  }
0xa7: {  	[dreg:$0x4] =	wrdreg $0xC0  }
0xa8: {  	_ =	task [dreg:s5], $0x5FFFF  }
0xa9: {  	[dreg:$0x1] =	wrdreg $0xFFFFFFFF  }
0xaa: {  	[dreg:$0x0] =	wrdreg $0x60  }
0xab: {  	[dreg:$0x2] =	wrdreg s0  }
0xac: {  	[dreg:$0x3] =	wrdreg s22  }
0xad: {  	[dreg:$0x4] =	wrdreg $0x9  }
0xae: {  	_ =	task.clear_ibuf [dreg:s5], $0x5FFFF;
	_ =	strace $0x90000046  }
0xaf: {  	s26 =	simm.s32 $0x9;
	_ =	strace $0x80000048  }
0xb0: {  	_ =	swait.ge [sflag:s26], $0x1  }
0xb1: {  	[sflag:s26] =	ssyncadd.s32 $0xFFFFFFFF  }
0xb2: {  	_ =	strace $0x90000048  }
0xb3: {  	_ =	sfence  }
0xb4: {  	s28 =	sld [smem:$0x0];
	_ =	sdelay $0x1  }
0xb5: {  	s29 =	srdreg.scid  }
0xb6: {  	s30 =	sshll.u32 s29, $0xD;
	s31 =	sshrl.u32 s29, $0x2  }
0xb7: {  	s2 =	sand.u32 $0x4000, s30;
	s1 =	sand.u32 $0x1, s29;
	s0 =	sadd.s32 s31, s28  }
0xb8: {  	s1 =	sor.u32 s2, s1;
	s0 =	sshll.u32 s0, $0x11  }
0xb9: {  	s0 =	sor.u32 s0, s1  }
0xba: {  	s0 =	sadd.s32 $0x8F2B, s0  }
0xbb: {  	[sflag:s0] =	ssyncadd.remote.s32 $0x1  }
0xbc: {  	_ =	sfence.sel $0xFFFF  }
0xbd: {  	[dreg:$0x0] =	wrdreg $0xFFFFFFFF;
	(pc) =	sbr.abs _section_cstart, $3  }
0xbe: {  	[dreg:$0x1] =	wrdreg $0xFFFFFFFF  }
0xbf: {  	_ =	task.clear_ibuf [dreg:s5], $0x2FFFF;
	_ =	strace $0x9FFFFFFF  }
0xc0: {  	(tm) =	ssettm $0x7FFFFFFF  }
0xc1: {  	_ =	shalt  }
tec
execute0_lowered:
.L_overlay_start_1:
0x0: {  	(tag) =	ssettag $0x1  }
0x1: {  	s3 =	rddreg [dreg:$0x0]  }
0x2: {  	s4 =	rddreg [dreg:$0x1]  }
0x3: {  	s0 =	rddreg [dreg:$0x2];
	s5 =	simm.s32 $0x0;
	s1 =	stileid.u32  }
0x4: {  	[smem:$0x7FF] =	sst s5;
	s2 =	sshll.u32 s1, $0x8  }
0x5: {  	s30 =	simm.s32 $0x1;
	_ =	strace $0x80000047;
	s3 =	sadd.s32 s3, s2  }
0x6: {  	[tilespmem:s5], [sflag:$0x1] =	stream.linear.gather [hbm4b:s3+s5], $0x800, $0x38;
	[tilespmem:$0x1000] =	vst v63  }
0x7: {  	_ =	swait.ge [sflag:s30], $0x800  }
0x8: {  	[sflag:s30] =	ssyncset.done $0x0  }
0x9: {  	s31 =	simm.s32 $0x40;
	[sflag:s30] =	ssyncadd.s32 $0xFFFFF800  }
0xa: {  	v1 =	vld [tilespmem:s31+$0xFFFFFFC0];
	_ =	sdelay $0x4  }
0xb: {  	v0 =	vimm.s32 $0xFFFFFF9C;
	vm0 =	veq.s32 v1, $0x1  }
0xc: {  	s3 =	simm.s32 $0x840;
	v1 =	vsel vm0, $0x3, v0  }
0xd: {  	[tilespmem:s3+$0xFFFFFFC0] =	vst v1  }
0xe: {  	v1 =	vld [tilespmem:s31+$0xFFFFFFD0];
	_ =	sdelay $0x4  }
0xf: {  	vm9 =	veq.s32 v1, $0x1  }
0x10: {  	v1 =	vsel vm9, $0x3, v0  }
0x11: {  	[tilespmem:s3+$0xFFFFFFD0] =	vst v1  }
0x12: {  	v1 =	vld [tilespmem:s31+$0xFFFFFFE0];
	_ =	sdelay $0x4  }
0x13: {  	vm10 =	veq.s32 v1, $0x1  }
0x14: {  	v1 =	vsel vm10, $0x3, v0  }
0x15: {  	[tilespmem:s3+$0xFFFFFFE0] =	vst v1  }
0x16: {  	v1 =	vld [tilespmem:s31+$0xFFFFFFF0];
	_ =	sdelay $0x4  }
0x17: {  	vm11 =	veq.s32 v1, $0x1  }
0x18: {  	v1 =	vsel vm11, $0x3, v0  }
0x19: {  	[tilespmem:s3+$0xFFFFFFF0] =	vst v1  }
0x1a: {  	v1 =	vld [tilespmem:s31+$0x0];
	_ =	sdelay $0x4  }
0x1b: {  	vm12 =	veq.s32 v1, $0x1  }
0x1c: {  	v1 =	vsel vm12, $0x3, v0  }
0x1d: {  	[tilespmem:s3+$0x0] =	vst v1  }
0x1e: {  	v1 =	vld [tilespmem:s31+$0x10];
	_ =	sdelay $0x4  }
0x1f: {  	vm13 =	veq.s32 v1, $0x1  }
0x20: {  	v1 =	vsel vm13, $0x3, v0  }
0x21: {  	[tilespmem:s3+$0x10] =	vst v1  }
0x22: {  	v1 =	vld [tilespmem:s31+$0x20];
	_ =	sdelay $0x4  }
0x23: {  	vm14 =	veq.s32 v1, $0x1  }
0x24: {  	v1 =	vsel vm14, $0x3, v0  }
0x25: {  	[tilespmem:s3+$0x20] =	vst v1  }
0x26: {  	v1 =	vld [tilespmem:s31+$0x30];
	_ =	sdelay $0x4  }
0x27: {  	vm15 =	veq.s32 v1, $0x1  }
0x28: {  	v1 =	vsel vm15, $0x3, v0  }
0x29: {  	s6 =	simm.s32 $0xC0;
	s4 =	sadd.s32 $0x400, s4;
	s5 =	simm.s32 $0x0;
	[tilespmem:s3+$0x30] =	vst v1  }
.LBB2_1:
0x2a: {  	v1 =	vld [tilespmem:s6+$0xFFFFFFC0];
	s5 =	sadd.s32 $0x8, s5  }
0x2b: {  	p0 =	slt.u32 s5, $0x78;
	_ =	sdelay $0x3  }
0x2c: {  	vm0 =	veq.s32 v1, $0x1  }
0x2d: {  	s3 =	sadd.s32 $0x80, s3;
	v1 =	vsel vm0, $0x3, v0  }
0x2e: {  	[tilespmem:s3+$0xFFFFFFC0] =	vst v1  }
0x2f: {  	v1 =	vld [tilespmem:s6+$0xFFFFFFD0];
	_ =	sdelay $0x4  }
0x30: {  	vm0 =	veq.s32 v1, $0x1  }
0x31: {  	v1 =	vsel vm0, $0x3, v0  }
0x32: {  	[tilespmem:s3+$0xFFFFFFD0] =	vst v1  }
0x33: {  	v1 =	vld [tilespmem:s6+$0xFFFFFFE0];
	_ =	sdelay $0x4  }
0x34: {  	vm0 =	veq.s32 v1, $0x1  }
0x35: {  	v1 =	vsel vm0, $0x3, v0  }
0x36: {  	[tilespmem:s3+$0xFFFFFFE0] =	vst v1  }
0x37: {  	v1 =	vld [tilespmem:s6+$0xFFFFFFF0];
	_ =	sdelay $0x4  }
0x38: {  	vm0 =	veq.s32 v1, $0x1  }
0x39: {  	v1 =	vsel vm0, $0x3, v0  }
0x3a: {  	[tilespmem:s3+$0xFFFFFFF0] =	vst v1  }
0x3b: {  	v1 =	vld [tilespmem:s6+$0x0];
	_ =	sdelay $0x4  }
0x3c: {  	vm0 =	veq.s32 v1, $0x1  }
0x3d: {  	v1 =	vsel vm0, $0x3, v0  }
0x3e: {  	[tilespmem:s3+$0x0] =	vst v1  }
0x3f: {  	v1 =	vld [tilespmem:s6+$0x10];
	_ =	sdelay $0x4  }
0x40: {  	vm0 =	veq.s32 v1, $0x1  }
0x41: {  	v1 =	vsel vm0, $0x3, v0  }
0x42: {  	[tilespmem:s3+$0x10] =	vst v1  }
0x43: {  	v1 =	vld [tilespmem:s6+$0x20];
	_ =	sdelay $0x4  }
0x44: {  	vm0 =	veq.s32 v1, $0x1  }
0x45: {  	v1 =	vsel vm0, $0x3, v0  }
0x46: {  	[tilespmem:s3+$0x20] =	vst v1  }
0x47: {  	v1 =	vld [tilespmem:s6+$0x30];
	_ =	sdelay $0x2  }
.Ltmp0:
0x48: {  	(pc) =	sbr.rel @p0 .LBB2_1-.Ltmp0, $4  }
0x49: {  	_ = 	snop  }
0x4a: {  	vm0 =	veq.s32 v1, $0x1  }
0x4b: {  	v1 =	vsel vm0, $0x3, v0  }
0x4c: {  	s6 =	sadd.s32 $0x80, s6;
	[tilespmem:s3+$0x30] =	vst v1  }
0x4d: {  	s2 =	sadd.s32 s4, s2  }
0x4e: {  	s3 =	simm.s32 $0x0;
	s30 =	simm.s32 $0x800;
	s31 =	simm.s32 $0x1  }
0x4f: {  	[hbm4b:s2+s3] =	stream.linear.scatter [tilespmem:s30], [sflag:$0x1], $0x800, $0x38;
	[tilespmem:$0x1000] =	vst v63  }
0x50: {  	_ =	swait.ge [sflag:s31], $0x800  }
0x51: {  	[sflag:s31] =	ssyncset.done $0x0  }
0x52: {  	[sflag:s31] =	ssyncadd.s32 $0xFFFFF800  }
0x53: {  	_ =	sfence.sel $0x180000  }
0x54: {  	[bflag:$0x0] =	sbarrier.arrive $0xFFFF  }
0x55: {  	p0 =	sne.s32 s1, $0x0;
	_ =	strace $0x90000047  }
0x56: {  	s0 =	sadd.s32 @!p0 $0x100000, s0;
	[bflag:$0x2] =	sbarrier.arrive $0xFFFF  }
0x57: {  	[sflag:s0] =	ssyncadd.tile.s32 @!p0 $0x1;
	_ =	shalt  }
.Lfunc_end2:
_tile_overlayer_lowered:
.L_overlay_start_2:
0x58: {  	(tag) =	ssettag $0x2  }
0x59: {  	s0 =	rddreg [dreg:$0x0];
	s2 =	stileid.u32  }
0x5a: {  	s1 =	rddreg [dreg:$0x1];
	p0 =	sne.s32 s2, $0x0  }
0x5b: {  	s3 =	rddreg [dreg:$0x2];
	[bflag:$0x3] =	sbarrier.arrive $0xFFFF;
	s2 =	simm.s32 @!p0 $0x1C01  }
0x5c: {  	[timem:s3], [sflag:s2] =	dma.local @!p0 [hbm:s0], s1  }
0x5d: {  	s0 =	simm.s32 @!p0 $0x1  }
0x5e: {  	_ =	swait.ge @!p0 [sflag:s0], s1  }
0x5f: {  	s1 =	ssub.s32 @!p0 $0x0, s1;
	[sflag:s0] =	ssyncset.done @!p0 $0x0  }
0x60: {  	[sflag:s0] =	ssyncadd.s32 @!p0 s1  }
0x61: {  	[bflag:$0x3] =	sbarrier.arrive $0xFFFF  }
0x62: {  	_ =	shalt  }

</sc_bundles>
